<compile_context>
chip_gen: v7x
topology: tpu7x:2x2x1
jax: 0.10.2.dev20260603
libtpu: 0.0.44.dev20260713+nightly
codegen_flags: <defaults>
</compile_context>

<pallas_src>
import jax
import jax.numpy as jnp
from jax.experimental import pallas as pl
from jax.experimental.pallas import tpu as pltpu

R = 32
H = 384
W = 384
K_TOP = 4


def _shifts(v, col):
    left = jnp.where(col == 0, 0.0, jnp.roll(v, 1, axis=1))
    right = jnp.where(col == W - 1, 0.0, jnp.roll(v, -1, axis=1))
    return (left, v, right)


def _conv3x3(v, w_ref, b_ref, n_out):
    cout = w_ref.shape[2]
    col = jax.lax.broadcasted_iota(jnp.int32, (1, v.shape[1]), 1) % W
    sh = _shifts(v, col)
    acc = None
    for dy in range(3):
        for dx in range(3):
            d = jnp.dot(w_ref[dy, dx],
                        sh[dx][:, dy * W:dy * W + n_out * W],
                        preferred_element_type=jnp.float32)
            acc = d if acc is None else acc + d
    return jax.nn.relu(acc + b_ref[...])


def _conv3x3_k64(v, wlc_ref, wrs_ref, b_ref, n_out):
    col = jax.lax.broadcasted_iota(jnp.int32, (1, v.shape[1]), 1) % W
    left = jnp.where(col == 0, 0.0, jnp.roll(v, 1, axis=1))
    right = jnp.where(col == W - 1, 0.0, jnp.roll(v, -1, axis=1))
    lc = jnp.concatenate([left, v], axis=0)
    rs = jnp.concatenate([right, jnp.roll(right, -W, axis=1)], axis=0)
    n = n_out * W
    acc = jnp.dot(wlc_ref[0], lc[:, :n],
                  preferred_element_type=jnp.float32)
    for dy in range(1, 3):
        acc += jnp.dot(wlc_ref[dy], lc[:, dy * W:dy * W + n],
                       preferred_element_type=jnp.float32)
    acc += jnp.dot(wrs_ref[0], rs[:, :n],
                   preferred_element_type=jnp.float32)
    acc += jnp.dot(wrs_ref[1], rs[:, 2 * W:2 * W + n],
                   preferred_element_type=jnp.float32)
    return jax.nn.relu(acc + b_ref[...])


def _kernel(xp_ref, xc_ref, xn_ref, w1_ref, b1_ref, wlc_ref, wrs_ref,
            b2_ref, w3_ref, b3_ref, ones_ref, out_ref):
    i = pl.program_id(1)
    nb = pl.num_programs(1)

    top = jnp.where(i == 0, 0.0, xp_ref[0])
    bot = jnp.where(i == nb - 1, 0.0, xn_ref[0])
    x2d = jnp.concatenate([top, xc_ref[0], bot], axis=1)

    h1 = _conv3x3(x2d, w1_ref, b1_ref, R + 2)
    h1 = jnp.concatenate([
        jnp.where(i == 0, 0.0, h1[:, :W]),
        h1[:, W:-W],
        jnp.where(i == nb - 1, 0.0, h1[:, -W:]),
    ], axis=1)

    h2 = _conv3x3_k64(h1, wlc_ref, wrs_ref, b2_ref, R)

    logits = jnp.dot(w3_ref[...], h2,
                     preferred_element_type=jnp.float32) + b3_ref[...]

    e = jnp.exp(logits)
    s = jnp.dot(ones_ref[...], e, preferred_element_type=jnp.float32)
    r = 1.0 / s

    work = e
    for _ in range(K_TOP - 1):
        cur = jnp.max(work, axis=0, keepdims=True)
        work = jnp.where(work == cur, -1.0, work)
    t = jnp.max(work, axis=0, keepdims=True)

    out_ref[0] = jnp.where(e >= t, e * r, 0.0)


@jax.jit
def kernel(x, W1, b1, W2, b2, W3, b3):
    B, C = x.shape[0], x.shape[1]
    nb = H // R
    hb = 2 * W
    x3 = x.reshape(B, C, H * W)
    w1t = jnp.transpose(W1, (2, 3, 0, 1))
    w2t = jnp.transpose(W2, (2, 3, 0, 1))
    wlc = jnp.concatenate([w2t[:, 0], w2t[:, 1]], axis=2)
    wrs = jnp.stack([
        jnp.concatenate([w2t[0, 2], w2t[1, 2]], axis=1),
        jnp.concatenate([w2t[2, 2], jnp.zeros((64, 64))], axis=1),
    ])
    w3t = W3[:, :, 0, 0]

    full = lambda s: pl.BlockSpec(s, lambda b, i: (0,) * len(s))
    out = pl.pallas_call(
        _kernel,
        grid=(B, nb),
        in_specs=[
            pl.BlockSpec((1, C, hb),
                         lambda b, i: (b, 0, jnp.maximum((R // 2) * i - 1,
                                                         0))),
            pl.BlockSpec((1, C, R * W), lambda b, i: (b, 0, i)),
            pl.BlockSpec((1, C, hb),
                         lambda b, i: (b, 0, jnp.minimum((R // 2) * (i + 1),
                                                         H * W // hb - 1))),
            full((3, 3, 64, 96)),
            full((64, 1)),
            full((3, 64, 128)),
            full((2, 64, 128)),
            full((64, 1)),
            full((96, 64)),
            full((96, 1)),
            full((1, 96)),
        ],
        out_specs=pl.BlockSpec((1, 96, R * W), lambda b, i: (b, 0, i)),
        out_shape=jax.ShapeDtypeStruct((B, 96, H * W), jnp.float32),
        compiler_params=pltpu.CompilerParams(
            dimension_semantics=("arbitrary", "arbitrary"),
        ),
    )(x3, x3, x3, w1t, b1[:, None], wlc, wrs, b2[:, None], w3t,
      b3[:, None], jnp.ones((1, 96), jnp.float32))
    return out.reshape(B, 96, H, W)

# --- scband reference (transcript-rebuilt; emitter-appended) ---
"""Pipeline reference for scband-gate-block-9070970929762 (READ-ONLY COPY).

The authoritative reference and input builder live on the scoring server;
editing this copy changes nothing except your own understanding.
"""

import jax, jax.numpy as jnp
import numpy as np


def conv2d(x, w, b, padding):
    out = jax.lax.conv_general_dilated(
        x, w, window_strides=(1, 1), padding=padding,
        dimension_numbers=('NCHW', 'OIHW', 'NCHW'))
    return out + b[None, :, None, None]


def top_k_softmax(t, k):
    # softmax over channel dim, keep top-k channels per spatial location
    sm = jax.nn.softmax(t, axis=1)
    sm_t = jnp.transpose(sm, (0, 2, 3, 1))  # (B,H,W,C)
    _, idx = jax.lax.top_k(sm_t, k)  # (B,H,W,k)
    B, H, W, C = sm_t.shape
    bi = jnp.arange(B)[:, None, None, None]
    hi = jnp.arange(H)[None, :, None, None]
    wi = jnp.arange(W)[None, None, :, None]
    mask = jnp.zeros_like(sm_t).at[bi, hi, wi, idx].set(1.0)
    out = sm_t * mask
    return jnp.transpose(out, (0, 3, 1, 2))


def setup_inputs(seed: int = 0) -> dict:
    key = jax.random.key(seed)
    ks = jax.random.split(key, 7)
    in_c, out_c = 96, 96
    x = jax.random.normal(ks[0], (2, in_c, 384, 384), dtype=jnp.float32)
    W1 = jax.random.normal(ks[1], (64, in_c, 3, 3), dtype=jnp.float32) * 0.05
    b1 = jnp.zeros((64,), dtype=jnp.float32)
    W2 = jax.random.normal(ks[2], (64, 64, 3, 3), dtype=jnp.float32) * 0.05
    b2 = jnp.zeros((64,), dtype=jnp.float32)
    W3 = jax.random.normal(ks[3], (out_c, 64, 1, 1), dtype=jnp.float32) * 0.05
    b3 = jnp.zeros((out_c,), dtype=jnp.float32)
    return {'x': x, 'W1': W1, 'b1': b1, 'W2': W2, 'b2': b2, 'W3': W3, 'b3': b3}


def reference(x, W1, b1, W2, b2, W3, b3):
    h = jax.nn.relu(conv2d(x, W1, b1, 'SAME'))
    h = jax.nn.relu(conv2d(h, W2, b2, 'SAME'))
    logits = conv2d(h, W3, b3, 'VALID')  # 1x1 conv, padding=0
    return top_k_softmax(logits, 4)

if __name__ == "__main__":
    import jax
    _d = setup_inputs()
    print(jax.jit(kernel)(*tuple(_d.values())))

</pallas_src>

<mosaic_0001>
module attributes {stable_mosaic.version = 14 : i64} {
  func.func @_kernel(%arg0: i32, %arg1: i32, %arg2: memref<1x96x768xf32, #tpu.memory_space<vmem>>, %arg3: memref<1x96x12288xf32, #tpu.memory_space<vmem>>, %arg4: memref<1x96x768xf32, #tpu.memory_space<vmem>>, %arg5: memref<3x3x64x96xf32, #tpu.memory_space<vmem>>, %arg6: memref<64x1xf32, #tpu.memory_space<vmem>>, %arg7: memref<3x64x128xf32, #tpu.memory_space<vmem>>, %arg8: memref<2x64x128xf32, #tpu.memory_space<vmem>>, %arg9: memref<64x1xf32, #tpu.memory_space<vmem>>, %arg10: memref<96x64xf32, #tpu.memory_space<vmem>>, %arg11: memref<96x1xf32, #tpu.memory_space<vmem>>, %arg12: memref<1x96xf32, #tpu.memory_space<vmem>>, %arg13: memref<1x96x12288xf32, #tpu.memory_space<vmem>>) attributes {dimension_semantics = [#tpu.dimension_semantics<arbitrary>, #tpu.dimension_semantics<arbitrary>], iteration_bounds = array<i64: 2, 12>, scalar_prefetch = 0 : i64, scratch_operands = 0 : i64, tpu.core_type = #tpu.core_type<tc>, window_params = [{transform_indices = @transform_0, window_bounds = array<i64: 1, 96, 768>}, {transform_indices = @transform_1, window_bounds = array<i64: 1, 96, 12288>}, {transform_indices = @transform_2, window_bounds = array<i64: 1, 96, 768>}, {pipeline_mode = #tpu.pipeline_mode<synchronous>, transform_indices = @transform_3, window_bounds = array<i64: 3, 3, 64, 96>}, {pipeline_mode = #tpu.pipeline_mode<synchronous>, transform_indices = @transform_4, window_bounds = array<i64: 64, 1>}, {pipeline_mode = #tpu.pipeline_mode<synchronous>, transform_indices = @transform_5, window_bounds = array<i64: 3, 64, 128>}, {pipeline_mode = #tpu.pipeline_mode<synchronous>, transform_indices = @transform_6, window_bounds = array<i64: 2, 64, 128>}, {pipeline_mode = #tpu.pipeline_mode<synchronous>, transform_indices = @transform_7, window_bounds = array<i64: 64, 1>}, {pipeline_mode = #tpu.pipeline_mode<synchronous>, transform_indices = @transform_8, window_bounds = array<i64: 96, 64>}, {pipeline_mode = #tpu.pipeline_mode<synchronous>, transform_indices = @transform_9, window_bounds = array<i64: 96, 1>}, {pipeline_mode = #tpu.pipeline_mode<synchronous>, transform_indices = @transform_10, window_bounds = array<i64: 1, 96>}, {transform_indices = @transform_11, window_bounds = array<i64: 1, 96, 12288>}]} {
    %eq3A = arith.constant 0 : i32
    %eq3A_0 = arith.cmpi eq, %arg1, %eq3A : i32
    %get3A = arith.constant 0 : index
    %get3A_1 = arith.constant 0 : index
    %get3A_2 = arith.constant 0 : index
    %get3A_3 = vector.load %arg2[%get3A, %get3A_1, %get3A_2] : memref<1x96x768xf32, #tpu.memory_space<vmem>>, vector<1x96x768xf32>
    %get3A_4 = vector.shape_cast %get3A_3 : vector<1x96x768xf32> to vector<96x768xf32>
    %jit3A = arith.constant 0.000000e+00 : f32
    %broadcast_in_dim3A = vector.broadcast %jit3A : f32 to vector<96x768xf32>
    %select_n3A = arith.select %eq3A_0, %broadcast_in_dim3A, %get3A_4 : vector<96x768xf32>
    %eq3A_5 = arith.constant 11 : i32
    %eq3A_6 = arith.cmpi eq, %arg1, %eq3A_5 : i32
    %get3A_7 = arith.constant 0 : index
    %get3A_8 = arith.constant 0 : index
    %get3A_9 = arith.constant 0 : index
    %get3A_10 = vector.load %arg4[%get3A_7, %get3A_8, %get3A_9] : memref<1x96x768xf32, #tpu.memory_space<vmem>>, vector<1x96x768xf32>
    %get3A_11 = vector.shape_cast %get3A_10 : vector<1x96x768xf32> to vector<96x768xf32>
    %jit3A_12 = arith.constant 0.000000e+00 : f32
    %broadcast_in_dim3A_13 = vector.broadcast %jit3A_12 : f32 to vector<96x768xf32>
    %select_n3A_14 = arith.select %eq3A_6, %broadcast_in_dim3A_13, %get3A_11 : vector<96x768xf32>
    %get3A_15 = arith.constant 0 : index
    %get3A_16 = arith.constant 0 : index
    %get3A_17 = arith.constant 0 : index
    %get3A_18 = vector.load %arg3[%get3A_15, %get3A_16, %get3A_17] : memref<1x96x12288xf32, #tpu.memory_space<vmem>>, vector<1x96x12288xf32>
    %get3A_19 = vector.shape_cast %get3A_18 : vector<1x96x12288xf32> to vector<96x12288xf32>
    %concatenate3A = tpu.concatenate %select_n3A, %get3A_19, %select_n3A_14 in 1 : vector<96x768xf32>, vector<96x12288xf32>, vector<96x768xf32> -> vector<96x13824xf32>
    %iota3A = tpu.iota {dimensions = array<i32: 1>} : vector<1x13824xi32>
    %jit3A_20 = arith.constant 384 : i32
    %eq3A_21 = arith.constant 0 : i32
    %eq3A_22 = arith.cmpi eq, %jit3A_20, %eq3A_21 : i32
    %jit3A_23 = arith.constant 1 : i32
    %select_n3A_24 = arith.select %eq3A_22, %jit3A_23, %jit3A_20 : i32
    %rem3A = vector.broadcast %select_n3A_24 : i32 to vector<1x13824xi32>
    %rem3A_25 = arith.remsi %iota3A, %rem3A : vector<1x13824xi32>
    %ne3A = arith.constant 0 : i32
    %ne3A_26 = vector.broadcast %ne3A : i32 to vector<1x13824xi32>
    %ne3A_27 = arith.cmpi ne, %rem3A_25, %ne3A_26 : vector<1x13824xi32>
    %lt3A = arith.constant 0 : i32
    %lt3A_28 = vector.broadcast %lt3A : i32 to vector<1x13824xi32>
    %lt3A_29 = arith.cmpi slt, %rem3A_25, %lt3A_28 : vector<1x13824xi32>
    %lt3A_30 = arith.constant 0 : i32
    %lt3A_31 = arith.cmpi slt, %select_n3A_24, %lt3A_30 : i32
    %ne3A_32 = vector.broadcast %lt3A_31 : i1 to vector<1x13824xi1>
    %ne3A_33 = vector.broadcast %ne3A_32 : vector<1x13824xi1> to vector<1x13824xi1>
    %ne3A_34 = arith.xori %lt3A_29, %ne3A_33 : vector<1x13824xi1>
    %and3A = arith.andi %ne3A_34, %ne3A_27 : vector<1x13824xi1>
    %add3A = vector.broadcast %select_n3A_24 : i32 to vector<1x13824xi32>
    %add3A_35 = arith.addi %rem3A_25, %add3A : vector<1x13824xi32>
    %select_n3A_36 = arith.select %and3A, %add3A_35, %rem3A_25 : vector<1x13824xi1>, vector<1x13824xi32>
    %eq3A_37 = arith.constant 0 : i32
    %eq3A_38 = vector.broadcast %eq3A_37 : i32 to vector<1x13824xi32>
    %eq3A_39 = arith.cmpi eq, %select_n3A_36, %eq3A_38 : vector<1x13824xi32>
    %slice3A = vector.extract_strided_slice %concatenate3A {offsets = [0, 13823], sizes = [96, 1], strides = [1, 1]} : vector<96x13824xf32> to vector<96x1xf32>
    %slice3A_40 = vector.extract_strided_slice %concatenate3A {offsets = [0, 0], sizes = [96, 13823], strides = [1, 1]} : vector<96x13824xf32> to vector<96x13823xf32>
    %concatenate3A_41 = tpu.concatenate %slice3A, %slice3A_40 in 1 : vector<96x1xf32>, vector<96x13823xf32> -> vector<96x13824xf32>
    %jit3A_42 = arith.constant 0.000000e+00 : f32
    %broadcast_in_dim3A_43 = vector.shape_cast %eq3A_39 : vector<1x13824xi1> to vector<1x13824xi1>
    %broadcast_in_dim3A_44 = vector.broadcast %broadcast_in_dim3A_43 : vector<1x13824xi1> to vector<96x13824xi1>
    %broadcast_in_dim3A_45 = vector.broadcast %jit3A_42 : f32 to vector<96x13824xf32>
    %select_n3A_46 = arith.select %broadcast_in_dim3A_44, %broadcast_in_dim3A_45, %concatenate3A_41 : vector<96x13824xi1>, vector<96x13824xf32>
    %eq3A_47 = arith.constant 383 : i32
    %eq3A_48 = vector.broadcast %eq3A_47 : i32 to vector<1x13824xi32>
    %eq3A_49 = arith.cmpi eq, %select_n3A_36, %eq3A_48 : vector<1x13824xi32>
    %slice3A_50 = vector.extract_strided_slice %concatenate3A {offsets = [0, 1], sizes = [96, 13823], strides = [1, 1]} : vector<96x13824xf32> to vector<96x13823xf32>
    %slice3A_51 = vector.extract_strided_slice %concatenate3A {offsets = [0, 0], sizes = [96, 1], strides = [1, 1]} : vector<96x13824xf32> to vector<96x1xf32>
    %concatenate3A_52 = tpu.concatenate %slice3A_50, %slice3A_51 in 1 : vector<96x13823xf32>, vector<96x1xf32> -> vector<96x13824xf32>
    %jit3A_53 = arith.constant 0.000000e+00 : f32
    %broadcast_in_dim3A_54 = vector.shape_cast %eq3A_49 : vector<1x13824xi1> to vector<1x13824xi1>
    %broadcast_in_dim3A_55 = vector.broadcast %broadcast_in_dim3A_54 : vector<1x13824xi1> to vector<96x13824xi1>
    %broadcast_in_dim3A_56 = vector.broadcast %jit3A_53 : f32 to vector<96x13824xf32>
    %select_n3A_57 = arith.select %broadcast_in_dim3A_55, %broadcast_in_dim3A_56, %concatenate3A_52 : vector<96x13824xi1>, vector<96x13824xf32>
    %get3A_58 = arith.constant 0 : index
    %get3A_59 = arith.constant 0 : index
    %get3A_60 = arith.constant 0 : index
    %get3A_61 = arith.constant 0 : index
    %get3A_62 = vector.load %arg5[%get3A_58, %get3A_59, %get3A_60, %get3A_61] : memref<3x3x64x96xf32, #tpu.memory_space<vmem>>, vector<1x1x64x96xf32>
    %get3A_63 = vector.shape_cast %get3A_62 : vector<1x1x64x96xf32> to vector<64x96xf32>
    %slice3A_64 = vector.extract_strided_slice %select_n3A_46 {offsets = [0, 0], sizes = [96, 13056], strides = [1, 1]} : vector<96x13824xf32> to vector<96x13056xf32>
    %dot_general3A = arith.constant dense<0.000000e+00> : vector<64x13056xf32>
    %dot_general3A_65 = tpu.matmul %get3A_63, %slice3A_64, %dot_general3A {dimension_numbers = #tpu.dot_dimension_numbers<[1], [0], [0], [1], [0, 0, 1, 1], [], []>, transpose_lhs_hint = false} : vector<64x96xf32>, vector<96x13056xf32>, vector<64x13056xf32> -> vector<64x13056xf32>
    %get3A_66 = arith.constant 0 : index
    %get3A_67 = arith.constant 1 : index
    %get3A_68 = arith.constant 0 : index
    %get3A_69 = arith.constant 0 : index
    %get3A_70 = vector.load %arg5[%get3A_66, %get3A_67, %get3A_68, %get3A_69] : memref<3x3x64x96xf32, #tpu.memory_space<vmem>>, vector<1x1x64x96xf32>
    %get3A_71 = vector.shape_cast %get3A_70 : vector<1x1x64x96xf32> to vector<64x96xf32>
    %slice3A_72 = vector.extract_strided_slice %concatenate3A {offsets = [0, 0], sizes = [96, 13056], strides = [1, 1]} : vector<96x13824xf32> to vector<96x13056xf32>
    %dot_general3A_73 = arith.constant dense<0.000000e+00> : vector<64x13056xf32>
    %dot_general3A_74 = tpu.matmul %get3A_71, %slice3A_72, %dot_general3A_73 {dimension_numbers = #tpu.dot_dimension_numbers<[1], [0], [0], [1], [0, 0, 1, 1], [], []>, transpose_lhs_hint = false} : vector<64x96xf32>, vector<96x13056xf32>, vector<64x13056xf32> -> vector<64x13056xf32>
    %add3A_75 = arith.addf %dot_general3A_65, %dot_general3A_74 : vector<64x13056xf32>
    %get3A_76 = arith.constant 0 : index
    %get3A_77 = arith.constant 2 : index
    %get3A_78 = arith.constant 0 : index
    %get3A_79 = arith.constant 0 : index
    %get3A_80 = vector.load %arg5[%get3A_76, %get3A_77, %get3A_78, %get3A_79] : memref<3x3x64x96xf32, #tpu.memory_space<vmem>>, vector<1x1x64x96xf32>
    %get3A_81 = vector.shape_cast %get3A_80 : vector<1x1x64x96xf32> to vector<64x96xf32>
    %slice3A_82 = vector.extract_strided_slice %select_n3A_57 {offsets = [0, 0], sizes = [96, 13056], strides = [1, 1]} : vector<96x13824xf32> to vector<96x13056xf32>
    %dot_general3A_83 = arith.constant dense<0.000000e+00> : vector<64x13056xf32>
    %dot_general3A_84 = tpu.matmul %get3A_81, %slice3A_82, %dot_general3A_83 {dimension_numbers = #tpu.dot_dimension_numbers<[1], [0], [0], [1], [0, 0, 1, 1], [], []>, transpose_lhs_hint = false} : vector<64x96xf32>, vector<96x13056xf32>, vector<64x13056xf32> -> vector<64x13056xf32>
    %add3A_85 = arith.addf %add3A_75, %dot_general3A_84 : vector<64x13056xf32>
    %get3A_86 = arith.constant 1 : index
    %get3A_87 = arith.constant 0 : index
    %get3A_88 = arith.constant 0 : index
    %get3A_89 = arith.constant 0 : index
    %get3A_90 = vector.load %arg5[%get3A_86, %get3A_87, %get3A_88, %get3A_89] : memref<3x3x64x96xf32, #tpu.memory_space<vmem>>, vector<1x1x64x96xf32>
    %get3A_91 = vector.shape_cast %get3A_90 : vector<1x1x64x96xf32> to vector<64x96xf32>
    %slice3A_92 = vector.extract_strided_slice %select_n3A_46 {offsets = [0, 384], sizes = [96, 13056], strides = [1, 1]} : vector<96x13824xf32> to vector<96x13056xf32>
    %dot_general3A_93 = arith.constant dense<0.000000e+00> : vector<64x13056xf32>
    %dot_general3A_94 = tpu.matmul %get3A_91, %slice3A_92, %dot_general3A_93 {dimension_numbers = #tpu.dot_dimension_numbers<[1], [0], [0], [1], [0, 0, 1, 1], [], []>, transpose_lhs_hint = false} : vector<64x96xf32>, vector<96x13056xf32>, vector<64x13056xf32> -> vector<64x13056xf32>
    %add3A_95 = arith.addf %add3A_85, %dot_general3A_94 : vector<64x13056xf32>
    %get3A_96 = arith.constant 1 : index
    %get3A_97 = arith.constant 1 : index
    %get3A_98 = arith.constant 0 : index
    %get3A_99 = arith.constant 0 : index
    %get3A_100 = vector.load %arg5[%get3A_96, %get3A_97, %get3A_98, %get3A_99] : memref<3x3x64x96xf32, #tpu.memory_space<vmem>>, vector<1x1x64x96xf32>
    %get3A_101 = vector.shape_cast %get3A_100 : vector<1x1x64x96xf32> to vector<64x96xf32>
    %slice3A_102 = vector.extract_strided_slice %concatenate3A {offsets = [0, 384], sizes = [96, 13056], strides = [1, 1]} : vector<96x13824xf32> to vector<96x13056xf32>
    %dot_general3A_103 = arith.constant dense<0.000000e+00> : vector<64x13056xf32>
    %dot_general3A_104 = tpu.matmul %get3A_101, %slice3A_102, %dot_general3A_103 {dimension_numbers = #tpu.dot_dimension_numbers<[1], [0], [0], [1], [0, 0, 1, 1], [], []>, transpose_lhs_hint = false} : vector<64x96xf32>, vector<96x13056xf32>, vector<64x13056xf32> -> vector<64x13056xf32>
    %add3A_105 = arith.addf %add3A_95, %dot_general3A_104 : vector<64x13056xf32>
    %get3A_106 = arith.constant 1 : index
    %get3A_107 = arith.constant 2 : index
    %get3A_108 = arith.constant 0 : index
    %get3A_109 = arith.constant 0 : index
    %get3A_110 = vector.load %arg5[%get3A_106, %get3A_107, %get3A_108, %get3A_109] : memref<3x3x64x96xf32, #tpu.memory_space<vmem>>, vector<1x1x64x96xf32>
    %get3A_111 = vector.shape_cast %get3A_110 : vector<1x1x64x96xf32> to vector<64x96xf32>
    %slice3A_112 = vector.extract_strided_slice %select_n3A_57 {offsets = [0, 384], sizes = [96, 13056], strides = [1, 1]} : vector<96x13824xf32> to vector<96x13056xf32>
    %dot_general3A_113 = arith.constant dense<0.000000e+00> : vector<64x13056xf32>
    %dot_general3A_114 = tpu.matmul %get3A_111, %slice3A_112, %dot_general3A_113 {dimension_numbers = #tpu.dot_dimension_numbers<[1], [0], [0], [1], [0, 0, 1, 1], [], []>, transpose_lhs_hint = false} : vector<64x96xf32>, vector<96x13056xf32>, vector<64x13056xf32> -> vector<64x13056xf32>
    %add3A_115 = arith.addf %add3A_105, %dot_general3A_114 : vector<64x13056xf32>
    %get3A_116 = arith.constant 2 : index
    %get3A_117 = arith.constant 0 : index
    %get3A_118 = arith.constant 0 : index
    %get3A_119 = arith.constant 0 : index
    %get3A_120 = vector.load %arg5[%get3A_116, %get3A_117, %get3A_118, %get3A_119] : memref<3x3x64x96xf32, #tpu.memory_space<vmem>>, vector<1x1x64x96xf32>
    %get3A_121 = vector.shape_cast %get3A_120 : vector<1x1x64x96xf32> to vector<64x96xf32>
    %slice3A_122 = vector.extract_strided_slice %select_n3A_46 {offsets = [0, 768], sizes = [96, 13056], strides = [1, 1]} : vector<96x13824xf32> to vector<96x13056xf32>
    %dot_general3A_123 = arith.constant dense<0.000000e+00> : vector<64x13056xf32>
    %dot_general3A_124 = tpu.matmul %get3A_121, %slice3A_122, %dot_general3A_123 {dimension_numbers = #tpu.dot_dimension_numbers<[1], [0], [0], [1], [0, 0, 1, 1], [], []>, transpose_lhs_hint = false} : vector<64x96xf32>, vector<96x13056xf32>, vector<64x13056xf32> -> vector<64x13056xf32>
    %add3A_125 = arith.addf %add3A_115, %dot_general3A_124 : vector<64x13056xf32>
    %get3A_126 = arith.constant 2 : index
    %get3A_127 = arith.constant 1 : index
    %get3A_128 = arith.constant 0 : index
    %get3A_129 = arith.constant 0 : index
    %get3A_130 = vector.load %arg5[%get3A_126, %get3A_127, %get3A_128, %get3A_129] : memref<3x3x64x96xf32, #tpu.memory_space<vmem>>, vector<1x1x64x96xf32>
    %get3A_131 = vector.shape_cast %get3A_130 : vector<1x1x64x96xf32> to vector<64x96xf32>
    %slice3A_132 = vector.extract_strided_slice %concatenate3A {offsets = [0, 768], sizes = [96, 13056], strides = [1, 1]} : vector<96x13824xf32> to vector<96x13056xf32>
    %dot_general3A_133 = arith.constant dense<0.000000e+00> : vector<64x13056xf32>
    %dot_general3A_134 = tpu.matmul %get3A_131, %slice3A_132, %dot_general3A_133 {dimension_numbers = #tpu.dot_dimension_numbers<[1], [0], [0], [1], [0, 0, 1, 1], [], []>, transpose_lhs_hint = false} : vector<64x96xf32>, vector<96x13056xf32>, vector<64x13056xf32> -> vector<64x13056xf32>
    %add3A_135 = arith.addf %add3A_125, %dot_general3A_134 : vector<64x13056xf32>
    %get3A_136 = arith.constant 2 : index
    %get3A_137 = arith.constant 2 : index
    %get3A_138 = arith.constant 0 : index
    %get3A_139 = arith.constant 0 : index
    %get3A_140 = vector.load %arg5[%get3A_136, %get3A_137, %get3A_138, %get3A_139] : memref<3x3x64x96xf32, #tpu.memory_space<vmem>>, vector<1x1x64x96xf32>
    %get3A_141 = vector.shape_cast %get3A_140 : vector<1x1x64x96xf32> to vector<64x96xf32>
    %slice3A_142 = vector.extract_strided_slice %select_n3A_57 {offsets = [0, 768], sizes = [96, 13056], strides = [1, 1]} : vector<96x13824xf32> to vector<96x13056xf32>
    %dot_general3A_143 = arith.constant dense<0.000000e+00> : vector<64x13056xf32>
    %dot_general3A_144 = tpu.matmul %get3A_141, %slice3A_142, %dot_general3A_143 {dimension_numbers = #tpu.dot_dimension_numbers<[1], [0], [0], [1], [0, 0, 1, 1], [], []>, transpose_lhs_hint = false} : vector<64x96xf32>, vector<96x13056xf32>, vector<64x13056xf32> -> vector<64x13056xf32>
    %add3A_145 = arith.addf %add3A_135, %dot_general3A_144 : vector<64x13056xf32>
    %get3A_146 = arith.constant 0 : index
    %get3A_147 = arith.constant 0 : index
    %get3A_148 = vector.load %arg6[%get3A_146, %get3A_147] : memref<64x1xf32, #tpu.memory_space<vmem>>, vector<64x1xf32>
    %add3A_149 = vector.broadcast %get3A_148 : vector<64x1xf32> to vector<64x13056xf32>
    %add3A_150 = arith.addf %add3A_145, %add3A_149 : vector<64x13056xf32>
    %max3A = arith.constant 0.000000e+00 : f32
    %max3A_151 = vector.broadcast %max3A : f32 to vector<64x13056xf32>
    %max3A_152 = arith.maximumf %add3A_150, %max3A_151 : vector<64x13056xf32>
    %eq3A_153 = arith.constant 0 : i32
    %eq3A_154 = arith.cmpi eq, %arg1, %eq3A_153 : i32
    %slice3A_155 = vector.extract_strided_slice %max3A_152 {offsets = [0, 0], sizes = [64, 384], strides = [1, 1]} : vector<64x13056xf32> to vector<64x384xf32>
    %jit3A_156 = arith.constant 0.000000e+00 : f32
    %broadcast_in_dim3A_157 = vector.broadcast %jit3A_156 : f32 to vector<64x384xf32>
    %select_n3A_158 = arith.select %eq3A_154, %broadcast_in_dim3A_157, %slice3A_155 : vector<64x384xf32>
    %slice3A_159 = vector.extract_strided_slice %max3A_152 {offsets = [0, 384], sizes = [64, 12288], strides = [1, 1]} : vector<64x13056xf32> to vector<64x12288xf32>
    %eq3A_160 = arith.constant 11 : i32
    %eq3A_161 = arith.cmpi eq, %arg1, %eq3A_160 : i32
    %slice3A_162 = vector.extract_strided_slice %max3A_152 {offsets = [0, 12672], sizes = [64, 384], strides = [1, 1]} : vector<64x13056xf32> to vector<64x384xf32>
    %jit3A_163 = arith.constant 0.000000e+00 : f32
    %broadcast_in_dim3A_164 = vector.broadcast %jit3A_163 : f32 to vector<64x384xf32>
    %select_n3A_165 = arith.select %eq3A_161, %broadcast_in_dim3A_164, %slice3A_162 : vector<64x384xf32>
    %concatenate3A_166 = tpu.concatenate %select_n3A_158, %slice3A_159, %select_n3A_165 in 1 : vector<64x384xf32>, vector<64x12288xf32>, vector<64x384xf32> -> vector<64x13056xf32>
    %iota3A_167 = tpu.iota {dimensions = array<i32: 1>} : vector<1x13056xi32>
    %jit3A_168 = arith.constant 384 : i32
    %eq3A_169 = arith.constant 0 : i32
    %eq3A_170 = arith.cmpi eq, %jit3A_168, %eq3A_169 : i32
    %jit3A_171 = arith.constant 1 : i32
    %select_n3A_172 = arith.select %eq3A_170, %jit3A_171, %jit3A_168 : i32
    %rem3A_173 = vector.broadcast %select_n3A_172 : i32 to vector<1x13056xi32>
    %rem3A_174 = arith.remsi %iota3A_167, %rem3A_173 : vector<1x13056xi32>
    %ne3A_175 = arith.constant 0 : i32
    %ne3A_176 = vector.broadcast %ne3A_175 : i32 to vector<1x13056xi32>
    %ne3A_177 = arith.cmpi ne, %rem3A_174, %ne3A_176 : vector<1x13056xi32>
    %lt3A_178 = arith.constant 0 : i32
    %lt3A_179 = vector.broadcast %lt3A_178 : i32 to vector<1x13056xi32>
    %lt3A_180 = arith.cmpi slt, %rem3A_174, %lt3A_179 : vector<1x13056xi32>
    %lt3A_181 = arith.constant 0 : i32
    %lt3A_182 = arith.cmpi slt, %select_n3A_172, %lt3A_181 : i32
    %ne3A_183 = vector.broadcast %lt3A_182 : i1 to vector<1x13056xi1>
    %ne3A_184 = vector.broadcast %ne3A_183 : vector<1x13056xi1> to vector<1x13056xi1>
    %ne3A_185 = arith.xori %lt3A_180, %ne3A_184 : vector<1x13056xi1>
    %and3A_186 = arith.andi %ne3A_185, %ne3A_177 : vector<1x13056xi1>
    %add3A_187 = vector.broadcast %select_n3A_172 : i32 to vector<1x13056xi32>
    %add3A_188 = arith.addi %rem3A_174, %add3A_187 : vector<1x13056xi32>
    %select_n3A_189 = arith.select %and3A_186, %add3A_188, %rem3A_174 : vector<1x13056xi1>, vector<1x13056xi32>
    %eq3A_190 = arith.constant 0 : i32
    %eq3A_191 = vector.broadcast %eq3A_190 : i32 to vector<1x13056xi32>
    %eq3A_192 = arith.cmpi eq, %select_n3A_189, %eq3A_191 : vector<1x13056xi32>
    %slice3A_193 = vector.extract_strided_slice %concatenate3A_166 {offsets = [0, 13055], sizes = [64, 1], strides = [1, 1]} : vector<64x13056xf32> to vector<64x1xf32>
    %slice3A_194 = vector.extract_strided_slice %concatenate3A_166 {offsets = [0, 0], sizes = [64, 13055], strides = [1, 1]} : vector<64x13056xf32> to vector<64x13055xf32>
    %concatenate3A_195 = tpu.concatenate %slice3A_193, %slice3A_194 in 1 : vector<64x1xf32>, vector<64x13055xf32> -> vector<64x13056xf32>
    %jit3A_196 = arith.constant 0.000000e+00 : f32
    %broadcast_in_dim3A_197 = vector.shape_cast %eq3A_192 : vector<1x13056xi1> to vector<1x13056xi1>
    %broadcast_in_dim3A_198 = vector.broadcast %broadcast_in_dim3A_197 : vector<1x13056xi1> to vector<64x13056xi1>
    %broadcast_in_dim3A_199 = vector.broadcast %jit3A_196 : f32 to vector<64x13056xf32>
    %select_n3A_200 = arith.select %broadcast_in_dim3A_198, %broadcast_in_dim3A_199, %concatenate3A_195 : vector<64x13056xi1>, vector<64x13056xf32>
    %eq3A_201 = arith.constant 383 : i32
    %eq3A_202 = vector.broadcast %eq3A_201 : i32 to vector<1x13056xi32>
    %eq3A_203 = arith.cmpi eq, %select_n3A_189, %eq3A_202 : vector<1x13056xi32>
    %slice3A_204 = vector.extract_strided_slice %concatenate3A_166 {offsets = [0, 1], sizes = [64, 13055], strides = [1, 1]} : vector<64x13056xf32> to vector<64x13055xf32>
    %slice3A_205 = vector.extract_strided_slice %concatenate3A_166 {offsets = [0, 0], sizes = [64, 1], strides = [1, 1]} : vector<64x13056xf32> to vector<64x1xf32>
    %concatenate3A_206 = tpu.concatenate %slice3A_204, %slice3A_205 in 1 : vector<64x13055xf32>, vector<64x1xf32> -> vector<64x13056xf32>
    %jit3A_207 = arith.constant 0.000000e+00 : f32
    %broadcast_in_dim3A_208 = vector.shape_cast %eq3A_203 : vector<1x13056xi1> to vector<1x13056xi1>
    %broadcast_in_dim3A_209 = vector.broadcast %broadcast_in_dim3A_208 : vector<1x13056xi1> to vector<64x13056xi1>
    %broadcast_in_dim3A_210 = vector.broadcast %jit3A_207 : f32 to vector<64x13056xf32>
    %select_n3A_211 = arith.select %broadcast_in_dim3A_209, %broadcast_in_dim3A_210, %concatenate3A_206 : vector<64x13056xi1>, vector<64x13056xf32>
    %concatenate3A_212 = tpu.concatenate %select_n3A_200, %concatenate3A_166 in 0 : vector<64x13056xf32>, vector<64x13056xf32> -> vector<128x13056xf32>
    %slice3A_213 = vector.extract_strided_slice %select_n3A_211 {offsets = [0, 384], sizes = [64, 12672], strides = [1, 1]} : vector<64x13056xf32> to vector<64x12672xf32>
    %slice3A_214 = vector.extract_strided_slice %select_n3A_211 {offsets = [0, 0], sizes = [64, 384], strides = [1, 1]} : vector<64x13056xf32> to vector<64x384xf32>
    %concatenate3A_215 = tpu.concatenate %slice3A_213, %slice3A_214 in 1 : vector<64x12672xf32>, vector<64x384xf32> -> vector<64x13056xf32>
    %concatenate3A_216 = tpu.concatenate %select_n3A_211, %concatenate3A_215 in 0 : vector<64x13056xf32>, vector<64x13056xf32> -> vector<128x13056xf32>
    %get3A_217 = arith.constant 0 : index
    %get3A_218 = arith.constant 0 : index
    %get3A_219 = arith.constant 0 : index
    %get3A_220 = vector.load %arg7[%get3A_217, %get3A_218, %get3A_219] : memref<3x64x128xf32, #tpu.memory_space<vmem>>, vector<1x64x128xf32>
    %get3A_221 = vector.shape_cast %get3A_220 : vector<1x64x128xf32> to vector<64x128xf32>
    %slice3A_222 = vector.extract_strided_slice %concatenate3A_212 {offsets = [0, 0], sizes = [128, 12288], strides = [1, 1]} : vector<128x13056xf32> to vector<128x12288xf32>
    %dot_general3A_223 = arith.constant dense<0.000000e+00> : vector<64x12288xf32>
    %dot_general3A_224 = tpu.matmul %get3A_221, %slice3A_222, %dot_general3A_223 {dimension_numbers = #tpu.dot_dimension_numbers<[1], [0], [0], [1], [0, 0, 1, 1], [], []>, transpose_lhs_hint = false} : vector<64x128xf32>, vector<128x12288xf32>, vector<64x12288xf32> -> vector<64x12288xf32>
    %get3A_225 = arith.constant 1 : index
    %get3A_226 = arith.constant 0 : index
    %get3A_227 = arith.constant 0 : index
    %get3A_228 = vector.load %arg7[%get3A_225, %get3A_226, %get3A_227] : memref<3x64x128xf32, #tpu.memory_space<vmem>>, vector<1x64x128xf32>
    %get3A_229 = vector.shape_cast %get3A_228 : vector<1x64x128xf32> to vector<64x128xf32>
    %slice3A_230 = vector.extract_strided_slice %concatenate3A_212 {offsets = [0, 384], sizes = [128, 12288], strides = [1, 1]} : vector<128x13056xf32> to vector<128x12288xf32>
    %dot_general3A_231 = arith.constant dense<0.000000e+00> : vector<64x12288xf32>
    %dot_general3A_232 = tpu.matmul %get3A_229, %slice3A_230, %dot_general3A_231 {dimension_numbers = #tpu.dot_dimension_numbers<[1], [0], [0], [1], [0, 0, 1, 1], [], []>, transpose_lhs_hint = false} : vector<64x128xf32>, vector<128x12288xf32>, vector<64x12288xf32> -> vector<64x12288xf32>
    %add3A_233 = arith.addf %dot_general3A_224, %dot_general3A_232 : vector<64x12288xf32>
    %get3A_234 = arith.constant 2 : index
    %get3A_235 = arith.constant 0 : index
    %get3A_236 = arith.constant 0 : index
    %get3A_237 = vector.load %arg7[%get3A_234, %get3A_235, %get3A_236] : memref<3x64x128xf32, #tpu.memory_space<vmem>>, vector<1x64x128xf32>
    %get3A_238 = vector.shape_cast %get3A_237 : vector<1x64x128xf32> to vector<64x128xf32>
    %slice3A_239 = vector.extract_strided_slice %concatenate3A_212 {offsets = [0, 768], sizes = [128, 12288], strides = [1, 1]} : vector<128x13056xf32> to vector<128x12288xf32>
    %dot_general3A_240 = arith.constant dense<0.000000e+00> : vector<64x12288xf32>
    %dot_general3A_241 = tpu.matmul %get3A_238, %slice3A_239, %dot_general3A_240 {dimension_numbers = #tpu.dot_dimension_numbers<[1], [0], [0], [1], [0, 0, 1, 1], [], []>, transpose_lhs_hint = false} : vector<64x128xf32>, vector<128x12288xf32>, vector<64x12288xf32> -> vector<64x12288xf32>
    %add3A_242 = arith.addf %add3A_233, %dot_general3A_241 : vector<64x12288xf32>
    %get3A_243 = arith.constant 0 : index
    %get3A_244 = arith.constant 0 : index
    %get3A_245 = arith.constant 0 : index
    %get3A_246 = vector.load %arg8[%get3A_243, %get3A_244, %get3A_245] : memref<2x64x128xf32, #tpu.memory_space<vmem>>, vector<1x64x128xf32>
    %get3A_247 = vector.shape_cast %get3A_246 : vector<1x64x128xf32> to vector<64x128xf32>
    %slice3A_248 = vector.extract_strided_slice %concatenate3A_216 {offsets = [0, 0], sizes = [128, 12288], strides = [1, 1]} : vector<128x13056xf32> to vector<128x12288xf32>
    %dot_general3A_249 = arith.constant dense<0.000000e+00> : vector<64x12288xf32>
    %dot_general3A_250 = tpu.matmul %get3A_247, %slice3A_248, %dot_general3A_249 {dimension_numbers = #tpu.dot_dimension_numbers<[1], [0], [0], [1], [0, 0, 1, 1], [], []>, transpose_lhs_hint = false} : vector<64x128xf32>, vector<128x12288xf32>, vector<64x12288xf32> -> vector<64x12288xf32>
    %add3A_251 = arith.addf %add3A_242, %dot_general3A_250 : vector<64x12288xf32>
    %get3A_252 = arith.constant 1 : index
    %get3A_253 = arith.constant 0 : index
    %get3A_254 = arith.constant 0 : index
    %get3A_255 = vector.load %arg8[%get3A_252, %get3A_253, %get3A_254] : memref<2x64x128xf32, #tpu.memory_space<vmem>>, vector<1x64x128xf32>
    %get3A_256 = vector.shape_cast %get3A_255 : vector<1x64x128xf32> to vector<64x128xf32>
    %slice3A_257 = vector.extract_strided_slice %concatenate3A_216 {offsets = [0, 768], sizes = [128, 12288], strides = [1, 1]} : vector<128x13056xf32> to vector<128x12288xf32>
    %dot_general3A_258 = arith.constant dense<0.000000e+00> : vector<64x12288xf32>
    %dot_general3A_259 = tpu.matmul %get3A_256, %slice3A_257, %dot_general3A_258 {dimension_numbers = #tpu.dot_dimension_numbers<[1], [0], [0], [1], [0, 0, 1, 1], [], []>, transpose_lhs_hint = false} : vector<64x128xf32>, vector<128x12288xf32>, vector<64x12288xf32> -> vector<64x12288xf32>
    %add3A_260 = arith.addf %add3A_251, %dot_general3A_259 : vector<64x12288xf32>
    %get3A_261 = arith.constant 0 : index
    %get3A_262 = arith.constant 0 : index
    %get3A_263 = vector.load %arg9[%get3A_261, %get3A_262] : memref<64x1xf32, #tpu.memory_space<vmem>>, vector<64x1xf32>
    %add3A_264 = vector.broadcast %get3A_263 : vector<64x1xf32> to vector<64x12288xf32>
    %add3A_265 = arith.addf %add3A_260, %add3A_264 : vector<64x12288xf32>
    %max3A_266 = arith.constant 0.000000e+00 : f32
    %max3A_267 = vector.broadcast %max3A_266 : f32 to vector<64x12288xf32>
    %max3A_268 = arith.maximumf %add3A_265, %max3A_267 : vector<64x12288xf32>
    %get3A_269 = arith.constant 0 : index
    %get3A_270 = arith.constant 0 : index
    %get3A_271 = vector.load %arg10[%get3A_269, %get3A_270] : memref<96x64xf32, #tpu.memory_space<vmem>>, vector<96x64xf32>
    %dot_general3A_272 = arith.constant dense<0.000000e+00> : vector<96x12288xf32>
    %dot_general3A_273 = tpu.matmul %get3A_271, %max3A_268, %dot_general3A_272 {dimension_numbers = #tpu.dot_dimension_numbers<[1], [0], [0], [1], [0, 0, 1, 1], [], []>, transpose_lhs_hint = false} : vector<96x64xf32>, vector<64x12288xf32>, vector<96x12288xf32> -> vector<96x12288xf32>
    %get3A_274 = arith.constant 0 : index
    %get3A_275 = arith.constant 0 : index
    %get3A_276 = vector.load %arg11[%get3A_274, %get3A_275] : memref<96x1xf32, #tpu.memory_space<vmem>>, vector<96x1xf32>
    %add3A_277 = vector.broadcast %get3A_276 : vector<96x1xf32> to vector<96x12288xf32>
    %add3A_278 = arith.addf %dot_general3A_273, %add3A_277 : vector<96x12288xf32>
    %exp3A = math.exp %add3A_278 : vector<96x12288xf32>
    %get3A_279 = arith.constant 0 : index
    %get3A_280 = arith.constant 0 : index
    %get3A_281 = vector.load %arg12[%get3A_279, %get3A_280] : memref<1x96xf32, #tpu.memory_space<vmem>>, vector<1x96xf32>
    %dot_general3A_282 = arith.constant dense<0.000000e+00> : vector<1x12288xf32>
    %dot_general3A_283 = tpu.matmul %get3A_281, %exp3A, %dot_general3A_282 {dimension_numbers = #tpu.dot_dimension_numbers<[1], [0], [0], [1], [0, 0, 1, 1], [], []>, transpose_lhs_hint = false} : vector<1x96xf32>, vector<96x12288xf32>, vector<1x12288xf32> -> vector<1x12288xf32>
    %div3A = arith.constant 1.000000e+00 : f32
    %div3A_284 = vector.broadcast %div3A : f32 to vector<1x12288xf32>
    %div3A_285 = arith.divf %div3A_284, %dot_general3A_283 : vector<1x12288xf32>
    %reduce_max3A = arith.constant dense<0xFF800000> : vector<12288xf32>
    %reduce_max3A_286 = vector.multi_reduction <maximumf>, %exp3A, %reduce_max3A [0] : vector<96x12288xf32> to vector<12288xf32>
    %broadcast_in_dim3A_287 = vector.shape_cast %reduce_max3A_286 : vector<12288xf32> to vector<1x12288xf32>
    %eq3A_288 = vector.broadcast %broadcast_in_dim3A_287 : vector<1x12288xf32> to vector<96x12288xf32>
    %eq3A_289 = arith.cmpf oeq, %exp3A, %eq3A_288 : vector<96x12288xf32>
    %jit3A_290 = arith.constant -1.000000e+00 : f32
    %broadcast_in_dim3A_291 = vector.broadcast %jit3A_290 : f32 to vector<96x12288xf32>
    %select_n3A_292 = arith.select %eq3A_289, %broadcast_in_dim3A_291, %exp3A : vector<96x12288xi1>, vector<96x12288xf32>
    %reduce_max3A_293 = arith.constant dense<0xFF800000> : vector<12288xf32>
    %reduce_max3A_294 = vector.multi_reduction <maximumf>, %select_n3A_292, %reduce_max3A_293 [0] : vector<96x12288xf32> to vector<12288xf32>
    %broadcast_in_dim3A_295 = vector.shape_cast %reduce_max3A_294 : vector<12288xf32> to vector<1x12288xf32>
    %eq3A_296 = vector.broadcast %broadcast_in_dim3A_295 : vector<1x12288xf32> to vector<96x12288xf32>
    %eq3A_297 = arith.cmpf oeq, %select_n3A_292, %eq3A_296 : vector<96x12288xf32>
    %jit3A_298 = arith.constant -1.000000e+00 : f32
    %broadcast_in_dim3A_299 = vector.broadcast %jit3A_298 : f32 to vector<96x12288xf32>
    %select_n3A_300 = arith.select %eq3A_297, %broadcast_in_dim3A_299, %select_n3A_292 : vector<96x12288xi1>, vector<96x12288xf32>
    %reduce_max3A_301 = arith.constant dense<0xFF800000> : vector<12288xf32>
    %reduce_max3A_302 = vector.multi_reduction <maximumf>, %select_n3A_300, %reduce_max3A_301 [0] : vector<96x12288xf32> to vector<12288xf32>
    %broadcast_in_dim3A_303 = vector.shape_cast %reduce_max3A_302 : vector<12288xf32> to vector<1x12288xf32>
    %eq3A_304 = vector.broadcast %broadcast_in_dim3A_303 : vector<1x12288xf32> to vector<96x12288xf32>
    %eq3A_305 = arith.cmpf oeq, %select_n3A_300, %eq3A_304 : vector<96x12288xf32>
    %jit3A_306 = arith.constant -1.000000e+00 : f32
    %broadcast_in_dim3A_307 = vector.broadcast %jit3A_306 : f32 to vector<96x12288xf32>
    %select_n3A_308 = arith.select %eq3A_305, %broadcast_in_dim3A_307, %select_n3A_300 : vector<96x12288xi1>, vector<96x12288xf32>
    %reduce_max3A_309 = arith.constant dense<0xFF800000> : vector<12288xf32>
    %reduce_max3A_310 = vector.multi_reduction <maximumf>, %select_n3A_308, %reduce_max3A_309 [0] : vector<96x12288xf32> to vector<12288xf32>
    %broadcast_in_dim3A_311 = vector.shape_cast %reduce_max3A_310 : vector<12288xf32> to vector<1x12288xf32>
    %ge3A = vector.broadcast %broadcast_in_dim3A_311 : vector<1x12288xf32> to vector<96x12288xf32>
    %ge3A_312 = arith.cmpf oge, %exp3A, %ge3A : vector<96x12288xf32>
    %mul3A = vector.broadcast %div3A_285 : vector<1x12288xf32> to vector<96x12288xf32>
    %mul3A_313 = arith.mulf %exp3A, %mul3A : vector<96x12288xf32>
    %jit3A_314 = arith.constant 0.000000e+00 : f32
    %broadcast_in_dim3A_315 = vector.broadcast %jit3A_314 : f32 to vector<96x12288xf32>
    %select_n3A_316 = arith.select %ge3A_312, %mul3A_313, %broadcast_in_dim3A_315 : vector<96x12288xi1>, vector<96x12288xf32>
    %swap3A = arith.constant 0 : index
    %swap3A_317 = arith.constant 0 : index
    %swap3A_318 = arith.constant 0 : index
    %swap3A_319 = vector.load %arg13[%swap3A, %swap3A_317, %swap3A_318] : memref<1x96x12288xf32, #tpu.memory_space<vmem>>, vector<1x96x12288xf32>
    %swap3A_320 = vector.shape_cast %swap3A_319 : vector<1x96x12288xf32> to vector<96x12288xf32>
    %swap3A_321 = vector.shape_cast %select_n3A_316 : vector<96x12288xf32> to vector<1x96x12288xf32>
    tpu.vector_store %arg13[%swap3A, %swap3A_317, %swap3A_318], %swap3A_321 {strides = array<i32>} : memref<1x96x12288xf32, #tpu.memory_space<vmem>>, vector<1x96x12288xf32>,
    return
  }
  func.func @transform_0(%arg0: i32, %arg1: i32) -> (i32, i32, i32) {
    %mul3A = arith.constant 16 : i32
    %mul3A_0 = arith.muli %mul3A, %arg1 : i32
    %sub3A = arith.constant 1 : i32
    %sub3A_1 = arith.subi %mul3A_0, %sub3A : i32
    %max3A = arith.constant 0 : i32
    %max3A_2 = arith.maxsi %sub3A_1, %max3A : i32
    %c0_i32 = arith.constant 0 : i32
    %c0_i32_3 = arith.constant 0 : i32
    return %arg0, %c0_i32, %max3A_2 : i32, i32, i32
  }
  func.func @transform_1(%arg0: i32, %arg1: i32) -> (i32, i32, i32) {
    %c0_i32 = arith.constant 0 : i32
    %c0_i32_0 = arith.constant 0 : i32
    return %arg0, %c0_i32, %arg1 : i32, i32, i32
  }
  func.func @transform_2(%arg0: i32, %arg1: i32) -> (i32, i32, i32) {
    %add3A = arith.constant 1 : i32
    %add3A_0 = arith.addi %arg1, %add3A : i32
    %mul3A = arith.constant 16 : i32
    %mul3A_1 = arith.muli %mul3A, %add3A_0 : i32
    %min3A = arith.constant 191 : i32
    %min3A_2 = arith.minsi %mul3A_1, %min3A : i32
    %c0_i32 = arith.constant 0 : i32
    %c0_i32_3 = arith.constant 0 : i32
    return %arg0, %c0_i32, %min3A_2 : i32, i32, i32
  }
  func.func @transform_3(%arg0: i32, %arg1: i32) -> (i32, i32, i32, i32) {
    %c0_i32 = arith.constant 0 : i32
    %c0_i32_0 = arith.constant 0 : i32
    %c0_i32_1 = arith.constant 0 : i32
    %c0_i32_2 = arith.constant 0 : i32
    %c0_i32_3 = arith.constant 0 : i32
    return %c0_i32, %c0_i32_0, %c0_i32_1, %c0_i32_2 : i32, i32, i32, i32
  }
  func.func @transform_4(%arg0: i32, %arg1: i32) -> (i32, i32) {
    %c0_i32 = arith.constant 0 : i32
    %c0_i32_0 = arith.constant 0 : i32
    %c0_i32_1 = arith.constant 0 : i32
    return %c0_i32, %c0_i32_0 : i32, i32
  }
  func.func @transform_5(%arg0: i32, %arg1: i32) -> (i32, i32, i32) {
    %c0_i32 = arith.constant 0 : i32
    %c0_i32_0 = arith.constant 0 : i32
    %c0_i32_1 = arith.constant 0 : i32
    %c0_i32_2 = arith.constant 0 : i32
    return %c0_i32, %c0_i32_0, %c0_i32_1 : i32, i32, i32
  }
  func.func @transform_6(%arg0: i32, %arg1: i32) -> (i32, i32, i32) {
    %c0_i32 = arith.constant 0 : i32
    %c0_i32_0 = arith.constant 0 : i32
    %c0_i32_1 = arith.constant 0 : i32
    %c0_i32_2 = arith.constant 0 : i32
    return %c0_i32, %c0_i32_0, %c0_i32_1 : i32, i32, i32
  }
  func.func @transform_7(%arg0: i32, %arg1: i32) -> (i32, i32) {
    %c0_i32 = arith.constant 0 : i32
    %c0_i32_0 = arith.constant 0 : i32
    %c0_i32_1 = arith.constant 0 : i32
    return %c0_i32, %c0_i32_0 : i32, i32
  }
  func.func @transform_8(%arg0: i32, %arg1: i32) -> (i32, i32) {
    %c0_i32 = arith.constant 0 : i32
    %c0_i32_0 = arith.constant 0 : i32
    %c0_i32_1 = arith.constant 0 : i32
    return %c0_i32, %c0_i32_0 : i32, i32
  }
  func.func @transform_9(%arg0: i32, %arg1: i32) -> (i32, i32) {
    %c0_i32 = arith.constant 0 : i32
    %c0_i32_0 = arith.constant 0 : i32
    %c0_i32_1 = arith.constant 0 : i32
    return %c0_i32, %c0_i32_0 : i32, i32
  }
  func.func @transform_10(%arg0: i32, %arg1: i32) -> (i32, i32) {
    %c0_i32 = arith.constant 0 : i32
    %c0_i32_0 = arith.constant 0 : i32
    %c0_i32_1 = arith.constant 0 : i32
    return %c0_i32, %c0_i32_0 : i32, i32
  }
  func.func @transform_11(%arg0: i32, %arg1: i32) -> (i32, i32, i32) {
    %c0_i32 = arith.constant 0 : i32
    %c0_i32_0 = arith.constant 0 : i32
    return %arg0, %c0_i32, %arg1 : i32, i32, i32
  }
}

</mosaic_0001>

<sc_bundles>
// kernel: sparse-core-data-format-call.cloned.1.call-start
scs
called_computation_lowered:
.L_overlay_start_0:
0x0: {  	s2 =	sld [smem:$0x3FD9]  }
0x1: {  	s3 =	sld [smem:$0x3FFE];
	_ =	sdelay $0x1  }
0x2: {  	s1 =	srdreg.scid  }
0x3: {  	s0 =	sand.u32 $0x1, s1  }
0x4: {  	s18 =	sshll.u32 s0, $0xA;
	s2 =	sadd.s32 s3, s2  }
0x5: {  	s2 =	sadd.s32 s2, s18  }
0x6: {  	[smem:$0x3FC1] =	sst s2  }
0x7: {  	_ = 	snop  }
0x8: {  	s2 =	sld [smem:$0x3FD0];
	(tm) =	ssettm $0x1  }
0x9: {  	s19 =	sld [smem:$0x3FFB];
	_ =	sdelay $0x3  }
0xa: {  	_ =	strace s19  }
0xb: {  	s3 =	sld [smem:$0x3FFC];
	_ =	sdelay $0x3  }
0xc: {  	_ =	strace s3  }
0xd: {  	s3 =	sld [smem:$0x3FFD];
	_ =	sdelay $0x3  }
0xe: {  	_ =	strace s3  }
0xf: {  	_ =	strace $0x8FFFFFFF  }
0x10: {  	s20 =	sld [smem:$0x3FDB];
	_ =	sdelay $0x1  }
0x11: {  	s4 =	simm.s32 $_scs_section_size  }
0x12: {  	s5 =	simm.s32 $_size__tile_overlayer_lowered;
	s6 =	simm.s32 $_tile_overlayer_lowered  }
0x13: {  	s23 =	simm.s32 $0x1BFF;
	s22 =	sshll.u32 s6, $0x1;
	s3 =	sadd.s32 s4, s20  }
0x14: {  	s7 =	simm.s32 $0x0;
	s21 =	sshll.u32 s5, $0x1;
	s5 =	sadd.s32 s22, s3  }
0x15: {  	[timem:s7], [sflag:s23] =	dma.local [hbm:s5], s21  }
0x16: {  	_ =	swait.ge [sflag:s23], s21  }
0x17: {  	s4 =	ssub.s32 $0x0, s21;
	[sflag:s23] =	ssyncset.done $0x0  }
0x18: {  	[sflag:s23] =	ssyncadd.s32 s4;
	_ =	sdelay $0x1  }
0x19: {  	s24 =	simm.s32 $0x1B8B  }
0x1a: {  	_ =	swait.ge [sflag:s24], $0x1  }
0x1b: {  	[sflag:s24] =	ssyncset.done $0x0  }
0x1c: {  	s26 =	simm.s32 $0x1B8E;
	s25 =	sld [smem:$0x3FFE];
	[sflag:s24] =	ssyncadd.s32 $0xFFFFFFFF  }
0x1d: {  	s27 =	simm.s32 $execute0_lowered;
	[smem:$0x3FD2] =	sst s26  }
0x1e: {  	s5 =	sshll.u32 s27, $0x1;
	_ =	strace $0x80000046;
	[dreg:$0x1] =	wrdreg $0xFFFFFFFF  }
0x1f: {  	s28 =	simm.s32 $_size_execute0_lowered;
	s3 =	sadd.s32 s3, s5;
	[dreg:$0x0] =	wrdreg $0x0  }
0x20: {  	s5 =	sshll.u32 s28, $0x1;
	[dreg:$0x2] =	wrdreg s3  }
0x21: {  	[dreg:$0x3] =	wrdreg s5  }
0x22: {  	[dreg:$0x4] =	wrdreg $0xC0  }
0x23: {  	_ =	task [dreg:s7], $0x5FFFF  }
0x24: {  	[dreg:$0x1] =	wrdreg $0xFFFFFFFF  }
0x25: {  	[dreg:$0x0] =	wrdreg $0x60  }
0x26: {  	[dreg:$0x2] =	wrdreg s25  }
0x27: {  	[dreg:$0x3] =	wrdreg s2  }
0x28: {  	[dreg:$0x4] =	wrdreg $0x9  }
0x29: {  	_ =	task.clear_ibuf [dreg:s7], $0x5FFFF;
	_ =	strace $0x90000046  }
0x2a: {  	s29 =	simm.s32 $0x9;
	_ =	strace $0x80000048  }
0x2b: {  	_ =	swait.ge [sflag:s29], $0x1  }
0x2c: {  	[sflag:s29] =	ssyncadd.s32 $0xFFFFFFFF  }
0x2d: {  	_ =	strace $0x90000048  }
0x2e: {  	_ =	sfence  }
0x2f: {  	s30 =	sld [smem:$0x0];
	_ =	sdelay $0x2  }
0x30: {  	s31 =	sshll.u32 s1, $0xD;
	s1 =	sshrl.u32 s1, $0x2  }
0x31: {  	s3 =	sand.u32 $0x4000, s31;
	s1 =	sadd.s32 s1, s30  }
0x32: {  	s0 =	sor.u32 s3, s0;
	s1 =	sshll.u32 s1, $0x11  }
0x33: {  	s0 =	sor.u32 s1, s0  }
0x34: {  	s0 =	sadd.s32 $0x8F2B, s0  }
0x35: {  	[sflag:s0] =	ssyncadd.remote.s32 $0x1  }
0x36: {  	_ =	sfence.sel $0xFFFF  }
0x37: {  	[dreg:$0x0] =	wrdreg $0xFFFFFFFF;
	(pc) =	sbr.abs _section_cstart, $3  }
0x38: {  	[dreg:$0x1] =	wrdreg $0xFFFFFFFF  }
0x39: {  	_ =	task.clear_ibuf [dreg:s7], $0x2FFFF;
	_ =	strace $0x9FFFFFFF  }
0x3a: {  	(tm) =	ssettm $0x7FFFFFFF  }
0x3b: {  	_ =	shalt  }
tec
execute0_lowered:
.L_overlay_start_1:
0x0: {  	(tag) =	ssettag $0x1  }
0x1: {  	s1 =	rddreg [dreg:$0x0]  }
0x2: {  	s2 =	rddreg [dreg:$0x1]  }
0x3: {  	s0 =	rddreg [dreg:$0x2];
	s4 =	srdreg.scid  }
0x4: {  	_ =	strace $0x80000047;
	s7 =	simm.s32 $0x2;
	s15 =	simm.s32 $0x0  }
0x5: {  	p0 =	por $0x0, $0x0;
	s13 =	simm.s32 $0x0;
	s16 =	simm.s32 $0x0  }
0x6: {  	s14 =	simm.s32 $0x0;
	s9 =	simm.s32 $0x0;
	s11 =	simm.s32 $0x0  }
.Ltmp0:
0x7: {  	s3 =	sadd.s32 $0xC00, s1;
	s4 =	sshll.u32 s4, $0x4;
	(pc) =	sbr.rel .LBB1_1-.Ltmp0, $4  }
0x8: {  	s1 =	stileid.u32;
	s5 =	sand.u32 $0x10, s4;
	s4 =	simm.s32 $0x1  }
0x9: {  	s8 =	simm.s32 $0x0;
	s6 =	sor.u32 s1, s5;
	[sflag:s4] =	ssyncpa.u1 $0x0  }
0xa: {  	s5 =	sand.u32 $0x3, s1;
	s6 =	sshrl.u32 s6, $0x2;
	[sflag:s7] =	ssyncpa.u1 $0x0  }
0xb: {  	s7 =	simm.s32 $0xC00;
	s12 =	smov.u32 s5;
	s10 =	smov.u32 s6  }
.LBB1_5:
0xc: {  	s17 =	sadd.s32 $0x80, s9  }
0xd: {  	s13 =	sadd.s32 $0x8, s10;
	s18 =	smov.u32 s10;
	p2 =	sgt.s32 s17, $0x17F  }
0xe: {  	s18 =	smov.u32 @p2 s13  }
0xf: {  	s19 =	smov.u32 s11;
	s13 =	sadd.s32 $0x80, s11;
	p3 =	sgt.s32 s18, $0x7  }
0x10: {  	s19 =	smov.u32 @p3 s13  }
0x11: {  	s20 =	smov.u32 s12;
	s13 =	sadd.s32 $0x4, s12;
	p4 =	sgt.s32 s19, $0x17F  }
0x12: {  	p1 =	slt.u32 s8, $0x2;
	s20 =	smov.u32 @p4 s13  }
0x13: {  	s8 =	sadd.s32 $0x1, s8;
	s17 =	simm.s32 @p2 $0x0;
	p2 =	sgt.s32 s20, $0x17  }
0x14: {  	s15 =	smov.u32 s9;
	s20 =	smov.u32 @p2 s5;
	p2 =	sne.s32 s8, $0x38  }
.Ltmp1:
0x15: {  	s16 =	smov.u32 s11;
	s21 =	simm.s32 @!p1 $0x2;
	(pc) =	sbr.rel @!p2 .LBB1_6-.Ltmp1, $4  }
0x16: {  	s14 =	smov.u32 s12;
	p0 =	por !p0, !p0;
	_ =	swait.ge @!p1 [sflag:s21], $0x4000  }
0x17: {  	[sflag:s21] =	ssyncset.done @!p1 $0x0;
	s9 =	smov.u32 s17;
	s18 =	smov.u32 @p3 s6  }
0x18: {  	[sflag:s21] =	ssyncadd.s32 @!p1 $0xFFFFC000;
	s19 =	simm.s32 @p4 $0x0;
	s13 =	smov.u32 s10  }
0x19: {  	s10 =	smov.u32 s18;
	s11 =	smov.u32 s19;
	s12 =	smov.u32 s20  }
.LBB1_1:
0x1a: {  	p1 =	sgt.u32 s8, $0x35  }
0x1b: {  	s17 =	sshrl.u32 @!p1 s10, $0x3  }
0x1c: {  	s18 =	sshll.u32 @!p1 s9, $0x3;
	s17 =	smul.u32 @!p1 $0xC00, s17  }
0x1d: {  	s19 =	sshll.u32 @!p1 s10, $0x7;
	s18 =	sand.u32 @!p1 $0xFFFFFC00, s18  }
0x1e: {  	s17 =	sadd.s32 @!p1 s17, s18;
	s18 =	sand.u32 @!p1 $0x380, s19  }
0x1f: {  	s19 =	sand.u32 @!p1 $0x7F, s9;
	s17 =	sor.u32 @!p1 s18, s17  }
0x20: {  	s18 =	sor.u32 @!p1 s19, s17  }
0x21: {  	s19 =	smulhi.u32 @!p1 $0xAAAAAAAB, s18  }
0x22: {  	s17 =	smulhi.u32 @!p1 $0xAAAAAAAB, s17  }
0x23: {  	s21 =	smul.u32 @!p1 $0x24000, s12;
	s19 =	sshrl.u32 @!p1 s19, $0x8  }
0x24: {  	s20 =	sxor.u32 @!p1 $0xFFFFFFFF, s8;
	s17 =	sshrl.u32 @!p1 s17, $0x8;
	s19 =	smul.u32 @!p1 $0x180, s19  }
0x25: {  	s22 =	smul.u32 @!p1 $0x180, s11;
	s20 =	sshll.u32 @!p1 s20, $0xE;
	s17 =	sand.u32 @!p1 $0x7, s17  }
0x26: {  	s17 =	smul.u32 @!p1 $0x30, s17;
	s18 =	ssub.s32 @!p1 s18, s19;
	s19 =	sadd.s32 @!p1 s3, s21  }
0x27: {  	s20 =	sand.u32 @!p1 $0x4000, s20;
	s19 =	sadd.s32 @!p1 s22, s19;
	s21 =	sand.u32 @!p1 $0x7, s18  }
0x28: {  	s18 =	sshrl.u32 @!p1 s18, $0x3;
	s17 =	sadd.s32 @!p1 s17, s19;
	s19 =	sshll.u32 @!p1 s21, $0x12  }
0x29: {  	s17 =	sadd.s32 @!p1 s18, s17;
	s18 =	sor.u32 @!p1 $0x80, s19;
	s19 =	simm.s32 @!p1 $0xC00  }
0x2a: {  	[tilespmem:s20], [sflag:$0x1] =	stream.strided.gather @!p1 [hbm4b:s17+s18], $0x4000, s19, s18, $0x38;
	[tilespmem:$0x10000] =	vst v63  }
0x2b: {  	p1 =	seq.s32 s8, $0x0  }
0x2c: {  	p2 =	seq.s32 @!p1 s8, $0x37  }
0x2d: {  	p1 =	por p1, p2  }
.Ltmp2:
0x2e: {  	_ = 	snop;
	(pc) =	sbr.rel @p1 .LBB1_5-.Ltmp2, $1  }
0x2f: {  	_ =	sdelay $0x3  }
0x30: {  	s17 =	simm.s32 $0x1  }
0x31: {  	s17 =	simm.s32 @!p0 $0x0  }
0x32: {  	s17 =	sshll.u32 s17, $0xE  }
0x33: {  	s18 =	sor.u32 $0x70, s17  }
0x34: {  	v1 =	vmov s18;
	_ =	sdelay $0x1  }
0x35: {  	_ =	swait.ge [sflag:s4], $0x4000  }
0x36: {  	[sflag:s4] =	ssyncset.done $0x0  }
0x37: {  	s19 =	simm.s32 $0x0;
	[sflag:s4] =	ssyncadd.s32 $0xFFFFC000  }
0x38: {  	s17 =	sor.u32 $0x8040, s17;
	v6 =	vld.idx.msk [tilespmem:v1+s19+$0x0 ss:$0x1], $0xffff  }
0x39: {  	v0 =	vmov s17;
	v8 =	vld.idx.msk [tilespmem:v1+s19+$0xFFFFFF90 ss:$0x1], $0xffff  }
0x3a: {  	v7 =	vld.idx.msk [tilespmem:v1+s19+$0xFFFFFFA0 ss:$0x1], $0xffff  }
0x3b: {  	v5 =	vld.idx.msk [tilespmem:v1+s19+$0xFFFFFFB0 ss:$0x1], $0xffff  }
0x3c: {  	v4 =	vld.idx.msk [tilespmem:v1+s19+$0xFFFFFFC0 ss:$0x1], $0xffff  }
0x3d: {  	s31 =	sshll.u32 s8, $0xE;
	v2 =	vld.idx.msk [tilespmem:v1+s19+$0xFFFFFFD0 ss:$0x1], $0xffff  }
0x3e: {  	s17 =	sand.u32 $0x4000, s31;
	v3 =	vld.idx.msk [tilespmem:v1+s19+$0xFFFFFFE0 ss:$0x1], $0xffff;
	[tilespmem:v0+s19+$0x30 ss:$0x1] =	vst.idx.msk $0xffff, v6  }
0x3f: {  	s20 =	simm.s32 $0x400;
	s18 =	simm.s32 $0x80;
	s17 =	sor.u32 $0x8000, s17;
	[tilespmem:v0+s19+$0xFFFFFFC0 ss:$0x1] =	vst.idx.msk $0xffff, v8;
	v6 =	vld.idx.msk [tilespmem:v1+s19+$0xFFFFFFF0 ss:$0x1], $0xffff  }
.LBB1_3:
0x40: {  	p1 =	sne.s32 s20, $0xFE00;
	v8 =	vld.idx.msk [tilespmem:v1+s18+$0x0 ss:$0x1], $0xffff;
	[tilespmem:v0+s19+$0xFFFFFFD0 ss:$0x1] =	vst.idx.msk $0xffff, v7  }
0x41: {  	v9 =	vld.idx.msk [tilespmem:v1+s18+$0xFFFFFF90 ss:$0x1], $0xffff;
	[tilespmem:v0+s19+$0xFFFFFFE0 ss:$0x1] =	vst.idx.msk $0xffff, v5  }
0x42: {  	v7 =	vld.idx.msk [tilespmem:v1+s18+$0xFFFFFFA0 ss:$0x1], $0xffff;
	[tilespmem:v0+s19+$0xFFFFFFF0 ss:$0x1] =	vst.idx.msk $0xffff, v4  }
.Ltmp3:
0x43: {  	v5 =	vld.idx.msk [tilespmem:v1+s18+$0xFFFFFFB0 ss:$0x1], $0xffff;
	[tilespmem:v0+s19+$0x0 ss:$0x1] =	vst.idx.msk $0xffff, v2;
	(pc) =	sbr.rel @p1 .LBB1_3-.Ltmp3, $4  }
0x44: {  	v4 =	vld.idx.msk [tilespmem:v1+s18+$0xFFFFFFC0 ss:$0x1], $0xffff;
	[tilespmem:v0+s19+$0x10 ss:$0x1] =	vst.idx.msk $0xffff, v3  }
0x45: {  	v2 =	vld.idx.msk [tilespmem:v1+s18+$0xFFFFFFD0 ss:$0x1], $0xffff;
	[tilespmem:v0+s19+$0x20 ss:$0x1] =	vst.idx.msk $0xffff, v6;
	s19 =	smov.u32 s18  }
0x46: {  	v3 =	vld.idx.msk [tilespmem:v1+s19+$0xFFFFFFE0 ss:$0x1], $0xffff;
	[tilespmem:v0+s19+$0x30 ss:$0x1] =	vst.idx.msk $0xffff, v8  }
0x47: {  	s18 =	sshra.s32 s20, $0x2;
	s20 =	sadd.s32 $0x200, s20;
	[tilespmem:v0+s19+$0xFFFFFFC0 ss:$0x1] =	vst.idx.msk $0xffff, v9;
	v6 =	vld.idx.msk [tilespmem:v1+s19+$0xFFFFFFF0 ss:$0x1], $0xffff  }
0x48: {  	s20 =	sshrl.u32 s16, $0x3  }
0x49: {  	s21 =	sshll.u32 s15, $0x3;
	s20 =	smul.u32 $0xC00, s20  }
0x4a: {  	s26 =	sshll.u32 s16, $0x7;
	s21 =	sand.u32 $0xFFFFFC00, s21  }
0x4b: {  	s16 =	sand.u32 $0x380, s26;
	s20 =	sadd.s32 s20, s21  }
0x4c: {  	[tilespmem:v0+s19+$0xFFFFFFD0 ss:$0x1] =	vst.idx.msk $0xffff, v7;
	s27 =	sand.u32 $0x7F, s15;
	s16 =	sor.u32 s16, s20  }
0x4d: {  	v56 =	vld.idx.msk [tilespmem:v1+s18+$0x0 ss:$0x1], $0xffff;
	[tilespmem:v0+s19+$0xFFFFFFE0 ss:$0x1] =	vst.idx.msk $0xffff, v5;
	s15 =	sor.u32 s27, s16;
	s16 =	smulhi.u32 $0xAAAAAAAB, s16  }
0x4e: {  	v57 =	vld.idx.msk [tilespmem:v1+s18+$0xFFFFFF90 ss:$0x1], $0xffff;
	[tilespmem:v0+s19+$0xFFFFFFF0 ss:$0x1] =	vst.idx.msk $0xffff, v4  }
0x4f: {  	v58 =	vld.idx.msk [tilespmem:v1+s18+$0xFFFFFFA0 ss:$0x1], $0xffff;
	s14 =	smul.u32 $0x24000, s14;
	[tilespmem:v0+s19+$0x0 ss:$0x1] =	vst.idx.msk $0xffff, v2;
	s16 =	sshrl.u32 s16, $0x8  }
0x50: {  	v59 =	vld.idx.msk [tilespmem:v1+s18+$0xFFFFFFB0 ss:$0x1], $0xffff;
	[tilespmem:v0+s19+$0x10 ss:$0x1] =	vst.idx.msk $0xffff, v3;
	s30 =	smulhi.u32 $0xAAAAAB, s16  }
0x51: {  	v60 =	vld.idx.msk [tilespmem:v1+s18+$0xFFFFFFC0 ss:$0x1], $0xffff;
	[tilespmem:v0+s19+$0x20 ss:$0x1] =	vst.idx.msk $0xffff, v6;
	s28 =	smulhi.u32 $0xAAAAAAAB, s15  }
0x52: {  	v61 =	vld.idx.msk [tilespmem:v1+s18+$0xFFFFFFD0 ss:$0x1], $0xffff;
	[tilespmem:v0+s18+$0x30 ss:$0x1] =	vst.idx.msk $0xffff, v56;
	s20 =	smul.u32 $0x180, s30  }
0x53: {  	v62 =	vld.idx.msk [tilespmem:v1+s18+$0xFFFFFFE0 ss:$0x1], $0xffff;
	s13 =	smul.u32 $0x4800, s13;
	[tilespmem:v0+s18+$0xFFFFFFC0 ss:$0x1] =	vst.idx.msk $0xffff, v57;
	s29 =	sshrl.u32 s28, $0x8  }
0x54: {  	v63 =	vld.idx.msk [tilespmem:v1+s18+$0xFFFFFFF0 ss:$0x1], $0xffff;
	[tilespmem:v0+s18+$0xFFFFFFD0 ss:$0x1] =	vst.idx.msk $0xffff, v58;
	s19 =	smul.u32 $0x180, s29;
	s16 =	ssub.s32 s16, s20  }
0x55: {  	[tilespmem:v0+s18+$0xFFFFFFE0 ss:$0x1] =	vst.idx.msk $0xffff, v59;
	s16 =	smul.u32 $0x30, s16  }
.Ltmp4:
0x56: {  	s14 =	sadd.s32 s2, s14;
	[tilespmem:v0+s18+$0xFFFFFFF0 ss:$0x1] =	vst.idx.msk $0xffff, v60;
	s15 =	ssub.s32 s15, s19;
	(pc) =	sbr.rel .LBB1_5-.Ltmp4, $4  }
0x57: {  	s13 =	sadd.s32 s13, s14;
	[tilespmem:v0+s18+$0x0 ss:$0x1] =	vst.idx.msk $0xffff, v61;
	s31 =	sand.u32 $0x7, s15  }
0x58: {  	[tilespmem:v0+s18+$0x10 ss:$0x1] =	vst.idx.msk $0xffff, v62;
	s15 =	sshrl.u32 s15, $0x3;
	s14 =	sshll.u32 s31, $0x12;
	s13 =	sadd.s32 s16, s13  }
0x59: {  	[tilespmem:v0+s18+$0x20 ss:$0x1] =	vst.idx.msk $0xffff, v63;
	s14 =	sor.u32 $0x400, s14;
	s13 =	sadd.s32 s15, s13  }
0x5a: {  	[hbm4b:s13+s14] =	stream.strided.scatter [tilespmem:s17], [sflag:$0x2], $0x4000, s7, s14, $0x38;
	[tilespmem:$0x10000] =	vst v63  }
.LBB1_6:
0x5b: {  	_ =	sfence.sel $0x180000  }
0x5c: {  	s2 =	simm.s32 $0x1;
	[bflag:$0x0] =	sbarrier.arrive $0xFFFF  }
0x5d: {  	s31 =	simm.s32 $0x2;
	[sflag:s2] =	ssyncpa.u1 $0x1  }
0x5e: {  	[sflag:s31] =	ssyncpa.u1 $0x1  }
0x5f: {  	p0 =	sne.s32 s1, $0x0;
	_ =	strace $0x90000047  }
0x60: {  	s0 =	sadd.s32 @!p0 $0x100000, s0;
	[bflag:$0x2] =	sbarrier.arrive $0xFFFF  }
0x61: {  	[sflag:s0] =	ssyncadd.tile.s32 @!p0 $0x1;
	_ =	shalt  }
.Lfunc_end1:
_tile_overlayer_lowered:
.L_overlay_start_2:
0x62: {  	(tag) =	ssettag $0x2  }
0x63: {  	s0 =	rddreg [dreg:$0x0];
	s2 =	stileid.u32  }
0x64: {  	s1 =	rddreg [dreg:$0x1];
	p0 =	sne.s32 s2, $0x0  }
0x65: {  	s3 =	rddreg [dreg:$0x2];
	[bflag:$0x3] =	sbarrier.arrive $0xFFFF;
	s2 =	simm.s32 @!p0 $0x1C01  }
0x66: {  	[timem:s3], [sflag:s2] =	dma.local @!p0 [hbm:s0], s1  }
0x67: {  	s0 =	simm.s32 @!p0 $0x1  }
0x68: {  	_ =	swait.ge @!p0 [sflag:s0], s1  }
0x69: {  	s1 =	ssub.s32 @!p0 $0x0, s1;
	[sflag:s0] =	ssyncset.done @!p0 $0x0  }
0x6a: {  	[sflag:s0] =	ssyncadd.s32 @!p0 s1  }
0x6b: {  	[bflag:$0x3] =	sbarrier.arrive $0xFFFF  }
0x6c: {  	_ =	shalt  }

</sc_bundles>
